<compile_context>
chip_gen: v7x
topology: tpu7x:2x2x1
jax: 0.10.2.dev20260603
libtpu: 0.0.44.dev20260713+nightly
codegen_flags: <defaults>
</compile_context>

<pallas_src>
import functools

import jax
import jax.numpy as jnp
from jax import lax
from jax.experimental import pallas as pl
from jax.experimental.pallas import tpu as pltpu
from jax.experimental.pallas import tpu_sc as plsc

NUM_EMB = 100001
KERNEL_DIM = 64
INPUT_DIM = 16
BATCH = 16384

_RBLK = 8192
_NHB = 7
_HALF = _RBLK * _NHB
_LAST_IN_BLK = 12
_PAD_COLS = 128

_NC = 2
_NS = 16
_NW = _NC * _NS
_B_PER_W = BATCH // _NW
_LANES = 16


def _repack_body(lo_t_ref, hi_t_ref, out_ref):
    out_ref[...] = jnp.concatenate([lo_t_ref[...].T, hi_t_ref[...].T], axis=1)


def _repack(table_t):
    return pl.pallas_call(
        _repack_body,
        grid=(_NHB,),
        in_specs=[
            pl.BlockSpec((KERNEL_DIM, _RBLK), lambda i: (0, i)),
            pl.BlockSpec(
                (KERNEL_DIM, _RBLK),
                lambda i: (0, jnp.minimum(i + _NHB, _LAST_IN_BLK)),
            ),
        ],
        out_specs=pl.BlockSpec((_RBLK, _PAD_COLS), lambda i: (i, 0)),
        out_shape=jax.ShapeDtypeStruct((_HALF, _PAD_COLS), jnp.float32),
    )(table_t, table_t)


def _gather_body(idx_hbm, table_hbm, out_hbm, idx_v, pidx_v, rows_v, sem):
    wid = lax.axis_index("s") * _NC + lax.axis_index("c")
    base = wid * _B_PER_W
    pltpu.sync_copy(idx_hbm.at[pl.ds(base, _B_PER_W)], idx_v)

    def remap(j, carry):
        v = idx_v[pl.ds(j * _LANES, _LANES)]
        pidx_v[pl.ds(j * _LANES, _LANES)] = jnp.where(v >= _HALF, v - _HALF, v)
        return carry

    lax.fori_loop(0, _B_PER_W // _LANES, remap, 0)
    pltpu.async_copy(table_hbm.at[pidx_v], rows_v, sem).wait()
    pltpu.sync_copy(rows_v, out_hbm.at[pl.ds(base, _B_PER_W)])


_sc_gather = functools.partial(
    pl.kernel,
    out_type=jax.ShapeDtypeStruct((BATCH, _PAD_COLS), jnp.float32),
    mesh=plsc.VectorSubcoreMesh(
        core_axis_name="c", subcore_axis_name="s", num_cores=_NC, num_subcores=_NS
    ),
    scratch_types=[
        pltpu.VMEM((_B_PER_W,), jnp.int32),
        pltpu.VMEM((_B_PER_W,), jnp.int32),
        pltpu.VMEM((_B_PER_W, _PAD_COLS), jnp.float32),
        pltpu.SemaphoreType.DMA,
    ],
)(_gather_body)


_BLK = 8192


def _tc_body(
    atom_ref, sel_ref, props_t_ref, wp_ref, bp_ref, wc1_ref, wc2_ref, bc_ref, out_ref
):
    sel = (sel_ref[...] >= _HALF).astype(jnp.float32).reshape(_BLK, 1)
    atom = atom_ref[:, :KERNEL_DIM] * (1.0 - sel) + atom_ref[:, KERNEL_DIM:] * sel
    prop_out_t = (
        lax.dot_general(
            wp_ref[...], props_t_ref[...],
            (((1,), (0,)), ((), ())),
            preferred_element_type=jnp.float32,
        )
        + bp_ref[...]
    )
    atom_part_t = lax.dot_general(
        wc1_ref[...], atom,
        (((1,), (1,)), ((), ())),
        preferred_element_type=jnp.float32,
    )
    comp_part_t = lax.dot_general(
        wc2_ref[...], prop_out_t,
        (((1,), (0,)), ((), ())),
        preferred_element_type=jnp.float32,
    )
    out_ref[...] = atom_part_t + comp_part_t + bc_ref[...]


def _tc_fused(atom_out, sel, props_t, W_prop, b_prop, Wc1, Wc2, b_comp):
    grid = BATCH // _BLK
    return pl.pallas_call(
        _tc_body,
        grid=(grid,),
        in_specs=[
            pl.BlockSpec((_BLK, _PAD_COLS), lambda i: (i, 0)),
            pl.BlockSpec((_BLK,), lambda i: (i,)),
            pl.BlockSpec((INPUT_DIM, _BLK), lambda i: (0, i)),
            pl.BlockSpec((KERNEL_DIM, INPUT_DIM), lambda i: (0, 0)),
            pl.BlockSpec((KERNEL_DIM, 1), lambda i: (0, 0)),
            pl.BlockSpec((KERNEL_DIM, KERNEL_DIM), lambda i: (0, 0)),
            pl.BlockSpec((KERNEL_DIM, KERNEL_DIM), lambda i: (0, 0)),
            pl.BlockSpec((KERNEL_DIM, 1), lambda i: (0, 0)),
        ],
        out_specs=pl.BlockSpec((KERNEL_DIM, _BLK), lambda i: (0, i)),
        out_shape=jax.ShapeDtypeStruct((KERNEL_DIM, BATCH), jnp.float32),
    )(atom_out, sel, props_t, W_prop, b_prop, Wc1, Wc2, b_comp)


def kernel(props, atom_type_ids, atom_table, W_prop, b_prop, W_comp, b_comp):
    ids = atom_type_ids.astype(jnp.int32)
    table_pack = _repack(atom_table.T)
    atom_out = _sc_gather(ids, table_pack)
    Wc1 = W_comp[:, :KERNEL_DIM]
    Wc2 = W_comp[:, KERNEL_DIM:]
    out_t = _tc_fused(
        atom_out,
        ids,
        props.T,
        W_prop,
        b_prop.reshape(KERNEL_DIM, 1),
        Wc1,
        Wc2,
        b_comp.reshape(KERNEL_DIM, 1),
    )
    return out_t.T

# --- scband reference (transcript-rebuilt; emitter-appended) ---
"""Pipeline reference for scband-embed-ncp-46901042872368 (READ-ONLY COPY).

The authoritative reference and input builder live on the scoring server;
editing this copy changes nothing except your own understanding.
"""

import jax, jax.numpy as jnp
import numpy as np

NUM_EMB = 100001  # len(ATOM_NEIGHBOR_IDS) + 1
KERNEL_DIM = 64
INPUT_DIM = 16
BATCH = 16384


def setup_inputs(seed: int = 0) -> dict:
    key = jax.random.key(seed)
    k_props, k_ids, k_tab, k_wp, k_bp, k_wc, k_bc = jax.random.split(key, 7)
    props = jax.random.normal(k_props, (BATCH, INPUT_DIM), dtype=jnp.float32)
    atom_type_ids = jax.random.randint(k_ids, (BATCH,), 0, NUM_EMB, dtype=jnp.int64)
    atom_table = jax.random.normal(k_tab, (NUM_EMB, KERNEL_DIM), dtype=jnp.float32)
    # prop_embedding: Linear(INPUT_DIM -> KERNEL_DIM)
    W_prop = jax.random.normal(k_wp, (KERNEL_DIM, INPUT_DIM), dtype=jnp.float32) * (1.0 / np.sqrt(INPUT_DIM))
    b_prop = jax.random.normal(k_bp, (KERNEL_DIM,), dtype=jnp.float32) * 0.01
    # compress: Linear(2*KERNEL_DIM -> KERNEL_DIM)
    W_comp = jax.random.normal(k_wc, (KERNEL_DIM, 2 * KERNEL_DIM), dtype=jnp.float32) * (1.0 / np.sqrt(2 * KERNEL_DIM))
    b_comp = jax.random.normal(k_bc, (KERNEL_DIM,), dtype=jnp.float32) * 0.01
    return {
        "props": props,
        "atom_type_ids": atom_type_ids,
        "atom_table": atom_table,
        "W_prop": W_prop,
        "b_prop": b_prop,
        "W_comp": W_comp,
        "b_comp": b_comp,
    }


def reference(props, atom_type_ids, atom_table, W_prop, b_prop, W_comp, b_comp):
    # baseline_atom_ids=True and any(properties)=True branch
    atom_out = jnp.take(atom_table, atom_type_ids, axis=0)          # [B, K] embedding gather
    prop_out = props @ W_prop.T + b_prop                            # [B, K]
    concatenated = jnp.concatenate([atom_out, prop_out], axis=1)    # [B, 2K]
    compressed = concatenated @ W_comp.T + b_comp                   # [B, K]
    return compressed

if __name__ == "__main__":
    import jax
    _d = setup_inputs()
    print(jax.jit(kernel)(*tuple(_d.values())))

</pallas_src>

<mosaic_0001>
#map = affine_map<(d0, d1) -> (0)>
#map1 = affine_map<(d0, d1) -> (0, 0)>
module attributes {stable_mosaic.version = 14 : i64} {
  func.func @_gather_body(%arg0: i32, %arg1: i32, %arg2: memref<16384xi32, #tpu.memory_space<hbm>>, %arg3: memref<57344x128xf32, #tpu.memory_space<hbm>>, %arg4: memref<16384x128xf32, #tpu.memory_space<hbm>>, %arg5: memref<512xi32, #tpu.memory_space<vmem>>, %arg6: memref<512xi32, #tpu.memory_space<vmem>>, %arg7: memref<512x128xf32, #tpu.memory_space<vmem>>, %arg8: memref<!tpu.dma_semaphore, #tpu.memory_space<semaphore_mem>>) attributes {dimension_semantics = [#tpu.dimension_semantics<core_parallel>, #tpu.dimension_semantics<subcore_parallel>], iteration_bounds = array<i64: 2, 16>, scalar_prefetch = 0 : i64, scratch_operands = 4 : i64, tpu.core_type = #tpu.core_type<sc_vector_subcore>, window_params = [{transform_indices = #map}, {transform_indices = #map1}, {transform_indices = #map1}]} {
    %mul3A = arith.constant 2 : i32
    %mul3A_0 = arith.muli %arg1, %mul3A : i32
    %add3A = arith.addi %mul3A_0, %arg0 : i32
    %mul3A_1 = arith.constant 512 : i32
    %mul3A_2 = arith.muli %add3A, %mul3A_1 : i32
    "tpu.region"() ({
      %run_scoped3A = tpu.sem_alloc : memref<!tpu.dma_semaphore, #tpu.memory_space<semaphore_mem>>
      %dma_start3A_12 = tpu.memref_slice %arg2[%mul3A_2] : memref<16384xi32, #tpu.memory_space<hbm>> -> memref<512xi32, #tpu.memory_space<hbm>>
      %dma_start3A_13 = tpu.memref_slice %arg2[%mul3A_2] : memref<16384xi32, #tpu.memory_space<hbm>> -> memref<512xi32, #tpu.memory_space<hbm>>
      tpu.enqueue_dma source(%dma_start3A_13 : memref<512xi32, #tpu.memory_space<hbm>>) target(%arg5 : memref<512xi32, #tpu.memory_space<vmem>>) target_semaphore(%run_scoped3A : memref<!tpu.dma_semaphore, #tpu.memory_space<semaphore_mem>>)
      %dma_wait3A_14 = tpu.memref_slice %arg2[%mul3A_2] : memref<16384xi32, #tpu.memory_space<hbm>> -> memref<512xi32, #tpu.memory_space<hbm>>
      %dma_wait3A_15 = tpu.memref_slice %arg2[%mul3A_2] : memref<16384xi32, #tpu.memory_space<hbm>> -> memref<512xi32, #tpu.memory_space<hbm>>
      tpu.wait_dma2 semaphore(%run_scoped3A : memref<!tpu.dma_semaphore, #tpu.memory_space<semaphore_mem>>) src(%dma_wait3A_15 : memref<512xi32, #tpu.memory_space<hbm>>) dst(%arg5 : memref<512xi32, #tpu.memory_space<vmem>>)
      tpu.yield
    }) : () -> ()
    %scan3A = arith.constant 0 : i32
    %scan3A_3 = arith.constant 0 : i32
    %scan3A_4 = arith.constant 32 : i32
    %scan3A_5 = arith.addi %scan3A_3, %scan3A_4 : i32
    %scan3A_6 = arith.constant 1 : i32
    scf.for %scan3A_12 = %scan3A_3 to %scan3A_5 step %scan3A_6  : i32 {
      %mul3A_13 = arith.constant 16 : i32
      %mul3A_14 = arith.muli %scan3A_12, %mul3A_13 : i32
      %get3A = arith.index_cast %mul3A_14 : i32 to index
      %get3A_15 = tpu.vector_load %arg5[%get3A] {strides = array<i32>} : memref<512xi32, #tpu.memory_space<vmem>>, vector<16xi32>,
      %get3A_16 = vector.shape_cast %get3A_15 : vector<16xi32> to vector<16xi32>
      %ge3A = arith.constant 57344 : i32
      %ge3A_17 = vector.broadcast %ge3A : i32 to vector<16xi32>
      %ge3A_18 = arith.cmpi sge, %get3A_16, %ge3A_17 : vector<16xi32>
      %sub3A = arith.constant 57344 : i32
      %sub3A_19 = vector.broadcast %sub3A : i32 to vector<16xi32>
      %sub3A_20 = arith.subi %get3A_16, %sub3A_19 : vector<16xi32>
      %select_n3A = arith.select %ge3A_18, %sub3A_20, %get3A_16 : vector<16xi1>, vector<16xi32>
      %mul3A_21 = arith.constant 16 : i32
      %mul3A_22 = arith.muli %scan3A_12, %mul3A_21 : i32
      %swap3A = arith.index_cast %mul3A_22 : i32 to index
      %swap3A_23 = tpu.vector_load %arg6[%swap3A] {strides = array<i32>} : memref<512xi32, #tpu.memory_space<vmem>>, vector<16xi32>,
      %swap3A_24 = vector.shape_cast %swap3A_23 : vector<16xi32> to vector<16xi32>
      %swap3A_25 = vector.shape_cast %select_n3A : vector<16xi32> to vector<16xi32>
      tpu.vector_store %arg6[%swap3A], %swap3A_25 {strides = array<i32>} : memref<512xi32, #tpu.memory_space<vmem>>, vector<16xi32>,
    }
    %scan3A_7 = arith.constant 32 : i32
    %dma_start3A = arith.constant 0 : i32
    %dma_start3A_8 = arith.constant 0 : i32
    %dma_start3A_9 = tpu.memref_slice %arg3[%dma_start3A, %dma_start3A_8] : memref<57344x128xf32, #tpu.memory_space<hbm>> -> memref<57344x128xf32, #tpu.memory_space<hbm>>
    tpu.enqueue_indirect_dma source(%dma_start3A_9 : memref<57344x128xf32, #tpu.memory_space<hbm>>) target(%arg7 : memref<512x128xf32, #tpu.memory_space<vmem>>) offsets(%arg6 : memref<512xi32, #tpu.memory_space<vmem>>) semaphore(%arg8 : memref<!tpu.dma_semaphore, #tpu.memory_space<semaphore_mem>>)
    %dma_wait3A = arith.constant 0 : i32
    %dma_wait3A_10 = arith.constant 0 : i32
    %dma_wait3A_11 = tpu.memref_slice %arg3[%dma_wait3A, %dma_wait3A_10] : memref<57344x128xf32, #tpu.memory_space<hbm>> -> memref<57344x128xf32, #tpu.memory_space<hbm>>
    tpu.wait_indirect_dma semaphore(%arg8 : memref<!tpu.dma_semaphore, #tpu.memory_space<semaphore_mem>>) src(%dma_wait3A_11 : memref<57344x128xf32, #tpu.memory_space<hbm>>) dst(%arg7 : memref<512x128xf32, #tpu.memory_space<vmem>>)
    "tpu.region"() ({
      %run_scoped3A = tpu.sem_alloc : memref<!tpu.dma_semaphore, #tpu.memory_space<semaphore_mem>>
      %dma_start3A_12 = arith.constant 0 : i32
      %dma_start3A_13 = tpu.memref_slice %arg4[%mul3A_2, %dma_start3A_12] : memref<16384x128xf32, #tpu.memory_space<hbm>> -> memref<512x128xf32, #tpu.memory_space<hbm>>
      %dma_start3A_14 = arith.constant 0 : i32
      %dma_start3A_15 = tpu.memref_slice %arg4[%mul3A_2, %dma_start3A_14] : memref<16384x128xf32, #tpu.memory_space<hbm>> -> memref<512x128xf32, #tpu.memory_space<hbm>>
      tpu.enqueue_dma source(%arg7 : memref<512x128xf32, #tpu.memory_space<vmem>>) target(%dma_start3A_15 : memref<512x128xf32, #tpu.memory_space<hbm>>) target_semaphore(%run_scoped3A : memref<!tpu.dma_semaphore, #tpu.memory_space<semaphore_mem>>)
      %dma_wait3A_16 = arith.constant 0 : i32
      %dma_wait3A_17 = tpu.memref_slice %arg4[%mul3A_2, %dma_wait3A_16] : memref<16384x128xf32, #tpu.memory_space<hbm>> -> memref<512x128xf32, #tpu.memory_space<hbm>>
      %dma_wait3A_18 = arith.constant 0 : i32
      %dma_wait3A_19 = tpu.memref_slice %arg4[%mul3A_2, %dma_wait3A_18] : memref<16384x128xf32, #tpu.memory_space<hbm>> -> memref<512x128xf32, #tpu.memory_space<hbm>>
      tpu.wait_dma2 semaphore(%run_scoped3A : memref<!tpu.dma_semaphore, #tpu.memory_space<semaphore_mem>>) src(%arg7 : memref<512x128xf32, #tpu.memory_space<vmem>>) dst(%dma_wait3A_19 : memref<512x128xf32, #tpu.memory_space<hbm>>)
      tpu.yield
    }) : () -> ()
    return
  }
}

module attributes {stable_mosaic.version = 14 : i64} {
  func.func @_tc_body(%arg0: i32, %arg1: memref<8192x128xf32, #tpu.memory_space<vmem>>, %arg2: memref<8192xi32, #tpu.memory_space<vmem>>, %arg3: memref<16x8192xf32, #tpu.memory_space<vmem>>, %arg4: memref<64x16xf32, #tpu.memory_space<vmem>>, %arg5: memref<64x1xf32, #tpu.memory_space<vmem>>, %arg6: memref<64x64xf32, #tpu.memory_space<vmem>>, %arg7: memref<64x64xf32, #tpu.memory_space<vmem>>, %arg8: memref<64x1xf32, #tpu.memory_space<vmem>>, %arg9: memref<64x8192xf32, #tpu.memory_space<vmem>>) attributes {dimension_semantics = [#tpu.dimension_semantics<arbitrary>], iteration_bounds = array<i64: 2>, scalar_prefetch = 0 : i64, scratch_operands = 0 : i64, tpu.core_type = #tpu.core_type<tc>, window_params = [{transform_indices = @transform_0, window_bounds = array<i64: 8192, 128>}, {transform_indices = @transform_1, window_bounds = array<i64: 8192>}, {transform_indices = @transform_2, window_bounds = array<i64: 16, 8192>}, {pipeline_mode = #tpu.pipeline_mode<synchronous>, transform_indices = @transform_3, window_bounds = array<i64: 64, 16>}, {pipeline_mode = #tpu.pipeline_mode<synchronous>, transform_indices = @transform_4, window_bounds = array<i64: 64, 1>}, {pipeline_mode = #tpu.pipeline_mode<synchronous>, transform_indices = @transform_5, window_bounds = array<i64: 64, 64>}, {pipeline_mode = #tpu.pipeline_mode<synchronous>, transform_indices = @transform_6, window_bounds = array<i64: 64, 64>}, {pipeline_mode = #tpu.pipeline_mode<synchronous>, transform_indices = @transform_7, window_bounds = array<i64: 64, 1>}, {transform_indices = @transform_8, window_bounds = array<i64: 64, 8192>}]} {
    %get3A = arith.constant 0 : index
    %get3A_0 = vector.load %arg2[%get3A] : memref<8192xi32, #tpu.memory_space<vmem>>, vector<8192xi32>
    %ge3A = arith.constant 57344 : i32
    %ge3A_1 = vector.broadcast %ge3A : i32 to vector<8192xi32>
    %ge3A_2 = arith.cmpi sge, %get3A_0, %ge3A_1 : vector<8192xi32>
    %convert_element_type3A = arith.extui %ge3A_2 : vector<8192xi1> to vector<8192xi32>
    %convert_element_type3A_3 = arith.sitofp %convert_element_type3A : vector<8192xi32> to vector<8192xf32>
    %reshape3A = vector.shape_cast %convert_element_type3A_3 : vector<8192xf32> to vector<8192x1xf32>
    %get3A_4 = arith.constant 0 : index
    %get3A_5 = arith.constant 0 : index
    %get3A_6 = vector.load %arg1[%get3A_4, %get3A_5] : memref<8192x128xf32, #tpu.memory_space<vmem>>, vector<8192x64xf32>
    %sub3A = arith.constant 1.000000e+00 : f32
    %sub3A_7 = vector.broadcast %sub3A : f32 to vector<8192x1xf32>
    %sub3A_8 = arith.subf %sub3A_7, %reshape3A : vector<8192x1xf32>
    %mul3A = vector.broadcast %sub3A_8 : vector<8192x1xf32> to vector<8192x64xf32>
    %mul3A_9 = arith.mulf %get3A_6, %mul3A : vector<8192x64xf32>
    %get3A_10 = arith.constant 0 : index
    %get3A_11 = arith.constant 64 : index
    %get3A_12 = vector.load %arg1[%get3A_10, %get3A_11] : memref<8192x128xf32, #tpu.memory_space<vmem>>, vector<8192x64xf32>
    %mul3A_13 = vector.broadcast %reshape3A : vector<8192x1xf32> to vector<8192x64xf32>
    %mul3A_14 = arith.mulf %get3A_12, %mul3A_13 : vector<8192x64xf32>
    %add3A = arith.addf %mul3A_9, %mul3A_14 : vector<8192x64xf32>
    %get3A_15 = arith.constant 0 : index
    %get3A_16 = arith.constant 0 : index
    %get3A_17 = vector.load %arg4[%get3A_15, %get3A_16] : memref<64x16xf32, #tpu.memory_space<vmem>>, vector<64x16xf32>
    %get3A_18 = arith.constant 0 : index
    %get3A_19 = arith.constant 0 : index
    %get3A_20 = vector.load %arg3[%get3A_18, %get3A_19] : memref<16x8192xf32, #tpu.memory_space<vmem>>, vector<16x8192xf32>
    %dot_general3A = arith.constant dense<0.000000e+00> : vector<64x8192xf32>
    %dot_general3A_21 = tpu.matmul %get3A_17, %get3A_20, %dot_general3A {dimension_numbers = #tpu.dot_dimension_numbers<[1], [0], [0], [1], [0, 0, 1, 1], [], []>, transpose_lhs_hint = false} : vector<64x16xf32>, vector<16x8192xf32>, vector<64x8192xf32> -> vector<64x8192xf32>
    %get3A_22 = arith.constant 0 : index
    %get3A_23 = arith.constant 0 : index
    %get3A_24 = vector.load %arg5[%get3A_22, %get3A_23] : memref<64x1xf32, #tpu.memory_space<vmem>>, vector<64x1xf32>
    %add3A_25 = vector.broadcast %get3A_24 : vector<64x1xf32> to vector<64x8192xf32>
    %add3A_26 = arith.addf %dot_general3A_21, %add3A_25 : vector<64x8192xf32>
    %get3A_27 = arith.constant 0 : index
    %get3A_28 = arith.constant 0 : index
    %get3A_29 = vector.load %arg6[%get3A_27, %get3A_28] : memref<64x64xf32, #tpu.memory_space<vmem>>, vector<64x64xf32>
    %dot_general3A_30 = arith.constant dense<0.000000e+00> : vector<64x8192xf32>
    %dot_general3A_31 = tpu.matmul %get3A_29, %add3A, %dot_general3A_30 {dimension_numbers = #tpu.dot_dimension_numbers<[1], [1], [0], [0], [0, 0, 1, 0], [], []>, transpose_lhs_hint = false} : vector<64x64xf32>, vector<8192x64xf32>, vector<64x8192xf32> -> vector<64x8192xf32>
    %get3A_32 = arith.constant 0 : index
    %get3A_33 = arith.constant 0 : index
    %get3A_34 = vector.load %arg7[%get3A_32, %get3A_33] : memref<64x64xf32, #tpu.memory_space<vmem>>, vector<64x64xf32>
    %dot_general3A_35 = arith.constant dense<0.000000e+00> : vector<64x8192xf32>
    %dot_general3A_36 = tpu.matmul %get3A_34, %add3A_26, %dot_general3A_35 {dimension_numbers = #tpu.dot_dimension_numbers<[1], [0], [0], [1], [0, 0, 1, 1], [], []>, transpose_lhs_hint = false} : vector<64x64xf32>, vector<64x8192xf32>, vector<64x8192xf32> -> vector<64x8192xf32>
    %add3A_37 = arith.addf %dot_general3A_31, %dot_general3A_36 : vector<64x8192xf32>
    %get3A_38 = arith.constant 0 : index
    %get3A_39 = arith.constant 0 : index
    %get3A_40 = vector.load %arg8[%get3A_38, %get3A_39] : memref<64x1xf32, #tpu.memory_space<vmem>>, vector<64x1xf32>
    %add3A_41 = vector.broadcast %get3A_40 : vector<64x1xf32> to vector<64x8192xf32>
    %add3A_42 = arith.addf %add3A_37, %add3A_41 : vector<64x8192xf32>
    %swap3A = arith.constant 0 : index
    %swap3A_43 = arith.constant 0 : index
    %swap3A_44 = vector.load %arg9[%swap3A, %swap3A_43] : memref<64x8192xf32, #tpu.memory_space<vmem>>, vector<64x8192xf32>
    tpu.vector_store %arg9[%swap3A, %swap3A_43], %add3A_42 {strides = array<i32>} : memref<64x8192xf32, #tpu.memory_space<vmem>>, vector<64x8192xf32>,
    return
  }
  func.func @transform_0(%arg0: i32) -> (i32, i32) {
    %c0_i32 = arith.constant 0 : i32
    %c0_i32_0 = arith.constant 0 : i32
    return %arg0, %c0_i32 : i32, i32
  }
  func.func @transform_1(%arg0: i32) -> i32 {
    %c0_i32 = arith.constant 0 : i32
    return %arg0 : i32
  }
  func.func @transform_2(%arg0: i32) -> (i32, i32) {
    %c0_i32 = arith.constant 0 : i32
    %c0_i32_0 = arith.constant 0 : i32
    return %c0_i32, %arg0 : i32, i32
  }
  func.func @transform_3(%arg0: i32) -> (i32, i32) {
    %c0_i32 = arith.constant 0 : i32
    %c0_i32_0 = arith.constant 0 : i32
    %c0_i32_1 = arith.constant 0 : i32
    return %c0_i32, %c0_i32_0 : i32, i32
  }
  func.func @transform_4(%arg0: i32) -> (i32, i32) {
    %c0_i32 = arith.constant 0 : i32
    %c0_i32_0 = arith.constant 0 : i32
    %c0_i32_1 = arith.constant 0 : i32
    return %c0_i32, %c0_i32_0 : i32, i32
  }
  func.func @transform_5(%arg0: i32) -> (i32, i32) {
    %c0_i32 = arith.constant 0 : i32
    %c0_i32_0 = arith.constant 0 : i32
    %c0_i32_1 = arith.constant 0 : i32
    return %c0_i32, %c0_i32_0 : i32, i32
  }
  func.func @transform_6(%arg0: i32) -> (i32, i32) {
    %c0_i32 = arith.constant 0 : i32
    %c0_i32_0 = arith.constant 0 : i32
    %c0_i32_1 = arith.constant 0 : i32
    return %c0_i32, %c0_i32_0 : i32, i32
  }
  func.func @transform_7(%arg0: i32) -> (i32, i32) {
    %c0_i32 = arith.constant 0 : i32
    %c0_i32_0 = arith.constant 0 : i32
    %c0_i32_1 = arith.constant 0 : i32
    return %c0_i32, %c0_i32_0 : i32, i32
  }
  func.func @transform_8(%arg0: i32) -> (i32, i32) {
    %c0_i32 = arith.constant 0 : i32
    %c0_i32_0 = arith.constant 0 : i32
    return %c0_i32, %arg0 : i32, i32
  }
}

module attributes {stable_mosaic.version = 14 : i64} {
  func.func @_repack_body(%arg0: i32, %arg1: memref<64x8192xf32, #tpu.memory_space<vmem>>, %arg2: memref<64x8192xf32, #tpu.memory_space<vmem>>, %arg3: memref<8192x128xf32, #tpu.memory_space<vmem>>) attributes {dimension_semantics = [#tpu.dimension_semantics<arbitrary>], iteration_bounds = array<i64: 7>, scalar_prefetch = 0 : i64, scratch_operands = 0 : i64, tpu.core_type = #tpu.core_type<tc>, window_params = [{transform_indices = @transform_0, window_bounds = array<i64: 64, 8192>}, {transform_indices = @transform_1, window_bounds = array<i64: 64, 8192>}, {transform_indices = @transform_2, window_bounds = array<i64: 8192, 128>}]} {
    %get3A = arith.constant 0 : index
    %get3A_0 = arith.constant 0 : index
    %get3A_1 = vector.load %arg1[%get3A, %get3A_0] : memref<64x8192xf32, #tpu.memory_space<vmem>>, vector<64x8192xf32>
    %transpose3A = tpu.transpose %get3A_1, [1, 0] : vector<64x8192xf32> -> vector<8192x64xf32>
    %get3A_2 = arith.constant 0 : index
    %get3A_3 = arith.constant 0 : index
    %get3A_4 = vector.load %arg2[%get3A_2, %get3A_3] : memref<64x8192xf32, #tpu.memory_space<vmem>>, vector<64x8192xf32>
    %transpose3A_5 = tpu.transpose %get3A_4, [1, 0] : vector<64x8192xf32> -> vector<8192x64xf32>
    %concatenate3A = tpu.concatenate %transpose3A, %transpose3A_5 in 1 : vector<8192x64xf32>, vector<8192x64xf32> -> vector<8192x128xf32>
    %swap3A = arith.constant 0 : index
    %swap3A_6 = arith.constant 0 : index
    %swap3A_7 = vector.load %arg3[%swap3A, %swap3A_6] : memref<8192x128xf32, #tpu.memory_space<vmem>>, vector<8192x128xf32>
    tpu.vector_store %arg3[%swap3A, %swap3A_6], %concatenate3A {strides = array<i32>} : memref<8192x128xf32, #tpu.memory_space<vmem>>, vector<8192x128xf32>,
    return
  }
  func.func @transform_0(%arg0: i32) -> (i32, i32) {
    %c0_i32 = arith.constant 0 : i32
    %c0_i32_0 = arith.constant 0 : i32
    return %c0_i32, %arg0 : i32, i32
  }
  func.func @transform_1(%arg0: i32) -> (i32, i32) {
    %add3A = arith.constant 7 : i32
    %add3A_0 = arith.addi %arg0, %add3A : i32
    %min3A = arith.constant 12 : i32
    %min3A_1 = arith.minsi %add3A_0, %min3A : i32
    %c0_i32 = arith.constant 0 : i32
    %c0_i32_2 = arith.constant 0 : i32
    return %c0_i32, %min3A_1 : i32, i32
  }
  func.func @transform_2(%arg0: i32) -> (i32, i32) {
    %c0_i32 = arith.constant 0 : i32
    %c0_i32_0 = arith.constant 0 : i32
    return %arg0, %c0_i32 : i32, i32
  }
}

</mosaic_0001>

<sc_bundles>
// kernel: kernel.5.cloned.1.call-start
scs
__scs_entry_jumppad:
0x0: {  	(pc) =	sbr.rel $0x88, $3  }
0x1: {  	(tag) =	ssettag $0x0;
	lr =	simm.s32 $0x1  }
0x2: {  	[smem:$0x3F9A] =	sst lr;
	_ =	strace $0xD0000000  }
0x3: {  	_ = 	snop  }
0x4: {  	_ = 	snop  }
0x5: {  	_ = 	snop  }
0x6: {  	_ = 	snop  }
0x7: {  	_ = 	snop  }
__scs_overlays_trampoline_lowered:
0x8: {  	[smem:$0x3FA9] =	sst s0  }
0x9: {  	[smem:$0x3FAA] =	sst s1  }
0xa: {  	[smem:$0x3FAB] =	sst s2  }
0xb: {  	[smem:$0x3FAC] =	sst s3  }
0xc: {  	[smem:$0x3FAD] =	sst s4  }
0xd: {  	[smem:$0x3FAE] =	sst s5  }
0xe: {  	[smem:$0x3FAF] =	sst s6  }
0xf: {  	[smem:$0x3FB0] =	sst s7  }
0x10: {  	[smem:$0x3FB1] =	sst s8  }
0x11: {  	[smem:$0x3FB2] =	sst s9;
	s0 =	simm.s32 @!p0 $0x0  }
0x12: {  	s1 =	sld [smem:$0x3F98];
	s0 =	simm.s32 @p0 $0x1  }
0x13: {  	[smem:$0x3FB3] =	sst s0;
	s0 =	simm.s32 @!p1 $0x0  }
0x14: {  	s2 =	sld [smem:$0x3F97];
	s0 =	simm.s32 @p1 $0x1  }
0x15: {  	[smem:$0x3FB4] =	sst s0;
	s0 =	simm.s32 @!p2 $0x0  }
0x16: {  	s3 =	sld [smem:$0x3FDB];
	s0 =	simm.s32 @p2 $0x1  }
0x17: {  	s4 =	simm.s32 $0x1BF5;
	[smem:$0x3FB6] =	sst s0  }
0x18: {  	s0 =	sld [smem:$0x3F99];
	_ =	swait.ge [sflag:s4], $0x0  }
0x19: {  	s7 =	sld [smem:$0x3F9A]  }
0x1a: {  	s8 =	sadd.s32 $0xFFFFE003, lr  }
0x1b: {  	s9 =	sadd.s32 $0xFFFFFEF7, lr;
	s5 =	simm.s32 $0xFFFFFFFF;
	p2 =	slt.u32 s8, $0xFFFFF086  }
0x1c: {  	p1 =	slt.u32 s9, $0xF7A;
	s5 =	simm.s32 @!p2 $0x0  }
0x1d: {  	s5 =	simm.s32 @p1 $0x1;
	p0 =	seq.s32 s7, s2  }
0x1e: {  	s7 =	smul.u32 @!p0 $0xF7A, s2;
	p2 =	seq.s32 @!p0 s5, $0x0  }
0x1f: {  	s9 =	smul.u32 $0xF7A, s1;
	s8 =	simm.s32 @!p0 $0x1BF5;
	p2 =	por !p2, p0  }
0x20: {  	[sflag:s8] =	ssyncset.s32 @!p0 $0xFFFFF086;
	s6 =	sadd.s32 @!p0 s3, s7;
	s7 =	simm.s32 @!p0 $0x108  }
0x21: {  	s3 =	sadd.s32 s3, s9;
	s6 =	sadd.s32 @!p0 $0x88, s6;
	s7 =	simm.s32 @p2 $0x1082  }
0x22: {  	[simem:s7], [sflag:s8] =	dma.local @!p0 [hbm:s6], $0xF7A  }
0x23: {  	s9 =	sor.u32 $0xD0000000, s2;
	s6 =	simm.s32 $0x108;
	_ =	swait.ge @!p0 [sflag:s8], $0x0  }
0x24: {  	s3 =	sadd.s32 $0x88, s3;
	s6 =	simm.s32 @!p1 $0x1082;
	[sflag:s4] =	ssyncset.s32 $0xFFFFF086  }
0x25: {  	[simem:s6], [sflag:s4] =	dma.local [hbm:s3], $0xF7A  }
0x26: {  	[smem:$0x3F9A] =	sst s1;
	(tag) =	ssettag s2;
	_ =	strace s9  }
0x27: {  	s1 =	sld [smem:$0x3FAA]  }
0x28: {  	s2 =	sld [smem:$0x3FAB]  }
0x29: {  	s4 =	sld [smem:$0x3FAD]  }
0x2a: {  	p0 =	seq.s32 s5, $0x0;
	s5 =	sld [smem:$0x3FAE]  }
0x2b: {  	s6 =	sld [smem:$0x3FAF]  }
0x2c: {  	s7 =	sld [smem:$0x3FB0]  }
0x2d: {  	s3 =	simm.s32 $0x108;
	s8 =	sld [smem:$0x3FB1]  }
0x2e: {  	s3 =	simm.s32 @!p0 $0x1082;
	s9 =	sld [smem:$0x3FB2]  }
0x2f: {  	lr =	sadd.s32 s0, s3;
	s0 =	sld [smem:$0x3FA9]  }
0x30: {  	s3 =	sld [smem:$0x3FAC]  }
0x31: {  	[smem:$0x3FB5] =	sst s10  }
0x32: {  	s10 =	sld [smem:$0x3FB3];
	_ =	sdelay $0x3  }
0x33: {  	p0 =	seq.s32 s10, $0x1;
	s10 =	sld [smem:$0x3FB5];
	_ =	sdelay $0x3  }
0x34: {  	[smem:$0x3FB5] =	sst s10  }
0x35: {  	s10 =	sld [smem:$0x3FB4];
	_ =	sdelay $0x3  }
0x36: {  	p1 =	seq.s32 s10, $0x1;
	s10 =	sld [smem:$0x3FB5];
	_ =	sdelay $0x3  }
0x37: {  	[smem:$0x3FB5] =	sst s10  }
0x38: {  	s10 =	sld [smem:$0x3FB6]  }
0x39: {  	_ = 	snop;
	(pc) =	sbr.ind lr, $3  }
0x3a: {  	_ = 	snop  }
0x3b: {  	_ = 	snop  }
0x3c: {  	p2 =	seq.s32 s10, $0x1;
	s10 =	sld [smem:$0x3FB5]  }
0x3d: {  	_ =	shalt  }
0x3e: {  	_ =	shalt  }
0x3f: {  	_ =	shalt  }
0x40: {  	_ =	shalt  }
0x41: {  	_ =	shalt  }
0x42: {  	_ =	shalt  }
0x43: {  	_ =	shalt  }
0x44: {  	_ =	shalt  }
0x45: {  	_ =	shalt  }
0x46: {  	_ =	shalt  }
0x47: {  	_ =	shalt  }
0x48: {  	_ =	shalt  }
0x49: {  	_ =	shalt  }
0x4a: {  	_ =	shalt  }
0x4b: {  	_ =	shalt  }
0x4c: {  	_ =	shalt  }
0x4d: {  	_ =	shalt  }
0x4e: {  	_ =	shalt  }
0x4f: {  	_ =	shalt  }
0x50: {  	_ =	shalt  }
0x51: {  	_ =	shalt  }
0x52: {  	_ =	shalt  }
0x53: {  	_ =	shalt  }
0x54: {  	_ =	shalt  }
0x55: {  	_ =	shalt  }
0x56: {  	_ =	shalt  }
0x57: {  	_ =	shalt  }
0x58: {  	_ =	shalt  }
0x59: {  	_ =	shalt  }
0x5a: {  	_ =	shalt  }
0x5b: {  	_ =	shalt  }
0x5c: {  	_ =	shalt  }
0x5d: {  	_ =	shalt  }
0x5e: {  	_ =	shalt  }
0x5f: {  	_ =	shalt  }
0x60: {  	_ =	shalt  }
0x61: {  	_ =	shalt  }
0x62: {  	_ =	shalt  }
0x63: {  	_ =	shalt  }
0x64: {  	_ =	shalt  }
0x65: {  	_ =	shalt  }
0x66: {  	_ =	shalt  }
0x67: {  	_ =	shalt  }
0x68: {  	_ =	shalt  }
0x69: {  	_ =	shalt  }
0x6a: {  	_ =	shalt  }
0x6b: {  	_ =	shalt  }
0x6c: {  	_ =	shalt  }
0x6d: {  	_ =	shalt  }
0x6e: {  	_ =	shalt  }
0x6f: {  	_ =	shalt  }
0x70: {  	_ =	shalt  }
0x71: {  	_ =	shalt  }
0x72: {  	_ =	shalt  }
0x73: {  	_ =	shalt  }
0x74: {  	_ =	shalt  }
0x75: {  	_ =	shalt  }
0x76: {  	_ =	shalt  }
0x77: {  	_ =	shalt  }
0x78: {  	_ =	shalt  }
0x79: {  	_ =	shalt  }
0x7a: {  	_ =	shalt  }
0x7b: {  	_ =	shalt  }
0x7c: {  	_ =	shalt  }
0x7d: {  	_ =	shalt  }
0x7e: {  	_ =	shalt  }
0x7f: {  	_ =	shalt  }
0x80: {  	_ =	shalt  }
0x81: {  	_ =	shalt  }
0x82: {  	_ =	shalt  }
0x83: {  	_ =	shalt  }
0x84: {  	_ =	shalt  }
0x85: {  	_ =	shalt  }
0x86: {  	_ =	shalt  }
0x87: {  	_ =	shalt  }
.Lfunc_end0:
.L_simem_size_0:
called_computation_lowered:
.L_overlay_start_0:
0x88: {  	s2 =	sld [smem:$0x3FD9]  }
0x89: {  	s3 =	sld [smem:$0x3FFE];
	_ =	sdelay $0x1  }
0x8a: {  	s1 =	srdreg.scid  }
0x8b: {  	s0 =	sand.u32 $0x1, s1  }
0x8c: {  	s17 =	sshll.u32 s0, $0xA;
	s2 =	sadd.s32 s3, s2  }
0x8d: {  	s2 =	sadd.s32 s2, s17  }
0x8e: {  	[smem:$0x3FC1] =	sst s2  }
0x8f: {  	_ = 	snop  }
0x90: {  	s2 =	sld [smem:$0x3FC8];
	(tm) =	ssettm $0x1  }
0x91: {  	s18 =	sld [smem:$0x3FFB];
	_ =	sdelay $0x3  }
0x92: {  	_ =	strace s18  }
0x93: {  	s3 =	sld [smem:$0x3FFC];
	_ =	sdelay $0x3  }
0x94: {  	_ =	strace s3  }
0x95: {  	s3 =	sld [smem:$0x3FFD];
	_ =	sdelay $0x3  }
0x96: {  	_ =	strace s3  }
0x97: {  	_ =	strace $0x8FFFFFFF  }
0x98: {  	s19 =	sld [smem:$0x3FDB];
	_ =	sdelay $0x1  }
0x99: {  	s4 =	simm.s32 $_scs_section_size  }
0x9a: {  	s5 =	simm.s32 $_size__tile_overlayer_lowered;
	s6 =	simm.s32 $_tile_overlayer_lowered  }
0x9b: {  	s22 =	simm.s32 $0x1BFF;
	s21 =	sshll.u32 s6, $0x1;
	s3 =	sadd.s32 s4, s19  }
0x9c: {  	s7 =	simm.s32 $0x0;
	s20 =	sshll.u32 s5, $0x1;
	s5 =	sadd.s32 s21, s3  }
0x9d: {  	[timem:s7], [sflag:s22] =	dma.local [hbm:s5], s20  }
0x9e: {  	_ =	swait.ge [sflag:s22], s20  }
0x9f: {  	s4 =	ssub.s32 $0x0, s20;
	[sflag:s22] =	ssyncset.done $0x0  }
0xa0: {  	[sflag:s22] =	ssyncadd.s32 s4;
	_ =	sdelay $0x1  }
0xa1: {  	s23 =	simm.s32 $0x1B8B  }
0xa2: {  	_ =	swait.ge [sflag:s23], $0x1  }
0xa3: {  	[sflag:s23] =	ssyncset.done $0x0  }
0xa4: {  	s25 =	simm.s32 $0x1B8E;
	s24 =	sld [smem:$0x3FFE];
	[sflag:s23] =	ssyncadd.s32 $0xFFFFFFFF  }
0xa5: {  	s26 =	simm.s32 $execute0_lowered;
	[smem:$0x3FD2] =	sst s25  }
0xa6: {  	s5 =	sshll.u32 s26, $0x1;
	_ =	strace $0x80000046;
	[dreg:$0x1] =	wrdreg $0xFFFFFFFF  }
0xa7: {  	s28 =	simm.s32 $_size_execute0_lowered;
	s3 =	sadd.s32 s3, s5;
	[dreg:$0x0] =	wrdreg $0x0  }
0xa8: {  	s5 =	sshll.u32 s28, $0x1;
	[dreg:$0x2] =	wrdreg s3  }
0xa9: {  	[dreg:$0x3] =	wrdreg s5  }
0xaa: {  	[dreg:$0x4] =	wrdreg $0xC0  }
0xab: {  	_ =	task [dreg:s7], $0x5FFFF  }
0xac: {  	[dreg:$0x1] =	wrdreg $0xFFFFFFFF  }
0xad: {  	[dreg:$0x0] =	wrdreg $0x60  }
0xae: {  	[dreg:$0x2] =	wrdreg s2  }
0xaf: {  	[dreg:$0x3] =	wrdreg s24  }
0xb0: {  	[dreg:$0x4] =	wrdreg $0x9  }
0xb1: {  	_ =	task.clear_ibuf [dreg:s7], $0x5FFFF;
	_ =	strace $0x90000046  }
0xb2: {  	s29 =	simm.s32 $0x9;
	_ =	strace $0x80000048  }
0xb3: {  	_ =	swait.ge [sflag:s29], $0x1  }
0xb4: {  	[sflag:s29] =	ssyncadd.s32 $0xFFFFFFFF  }
0xb5: {  	_ =	strace $0x90000048  }
0xb6: {  	_ =	sfence  }
0xb7: {  	s30 =	sld [smem:$0x0];
	_ =	sdelay $0x2  }
0xb8: {  	s31 =	sshll.u32 s1, $0xD;
	s1 =	sshrl.u32 s1, $0x2  }
0xb9: {  	s3 =	sand.u32 $0x4000, s31;
	s1 =	sadd.s32 s1, s30  }
0xba: {  	s0 =	sor.u32 s3, s0;
	s1 =	sshll.u32 s1, $0x11  }
0xbb: {  	s0 =	sor.u32 s1, s0  }
0xbc: {  	s0 =	sadd.s32 $0x8F2B, s0  }
0xbd: {  	[sflag:s0] =	ssyncadd.remote.s32 $0x1  }
0xbe: {  	_ =	sfence.sel $0xFFFF  }
0xbf: {  	[dreg:$0x0] =	wrdreg $0xFFFFFFFF;
	(pc) =	sbr.abs _section_cstart, $3  }
0xc0: {  	[dreg:$0x1] =	wrdreg $0xFFFFFFFF  }
0xc1: {  	_ =	task.clear_ibuf [dreg:s7], $0x2FFFF;
	_ =	strace $0x9FFFFFFF  }
0xc2: {  	(tm) =	ssettm $0x7FFFFFFF  }
0xc3: {  	_ =	shalt  }
tec
execute0_lowered:
.L_overlay_start_1:
0x0: {  	(tag) =	ssettag $0x1  }
0x1: {  	s4 =	rddreg [dreg:$0x0]  }
0x2: {  	s5 =	rddreg [dreg:$0x1]  }
0x3: {  	s0 =	rddreg [dreg:$0x2]  }
0x4: {  	s3 =	srdreg.scid;
	s2 =	simm.s32 $0x0;
	s1 =	stileid.u32  }
0x5: {  	s9 =	simm.s32 $0x400;
	s10 =	simm.s32 $0x1;
	s11 =	simm.s32 $0x0  }
0x6: {  	s6 =	sand.u32 $0x1, s3;
	[smem:$0x7FF] =	sst s2;
	s30 =	sshll.u32 s1, $0xA  }
0x7: {  	s3 =	sadd.s32 $0x1400, s5;
	s7 =	sshll.u32 s6, $0x9;
	s6 =	ssub.s32 $0x2, s6  }
0x8: {  	_ =	strace $0x80000047;
	s7 =	sor.u32 s7, s30;
	s31 =	sshrl.u32 s6, $0x1  }
0x9: {  	s8 =	sshll.u32 s7, $0x4;
	s7 =	sshrl.u32 s7, $0x3;
	s6 =	ssub.s32 s6, s31  }
0xa: {  	s5 =	sadd.s32 s8, s5;
	s4 =	sadd.s32 s4, s7;
	s6 =	smax.u32 s6, $0x1  }
0xb: {  	s7 =	simm.s32 $0x2;
	s8 =	simm.s32 $0x200;
	s5 =	sadd.s32 $0xE1400, s5  }
.LBB2_1:
0xc: {  	[tilespmem:s2], [sflag:$0x2] =	stream.linear.gather [hbm4b:s4+s2], $0x200, $0x38;
	[tilespmem:$0x10400] =	vst v63  }
0xd: {  	_ =	swait.ge [sflag:s7], $0x200  }
0xe: {  	[sflag:s7] =	ssyncset.done $0x0  }
0xf: {  	s12 =	simm.s32 $0x0;
	[sflag:s7] =	ssyncadd.s32 $0xFFFFFE00  }
0x10: {  	v0 =	vld [tilespmem:s12+$0x0]  }
0x11: {  	s13 =	simm.s32 $0x40  }
.LBB2_2:
0x12: {  	p0 =	sne.s32 s13, $0x7C0  }
.Ltmp0:
0x13: {  	_ = 	snop;
	(pc) =	sbr.rel @p0 .LBB2_2-.Ltmp0, $4  }
0x14: {  	_ = 	snop  }
0x15: {  	s14 =	sshra.s32 s13, $0x2;
	s13 =	sadd.s32 $0x40, s13;
	vm0 =	vgt.s32 v0, $0xDFFF;
	v1 =	vadd.s32 $0xFFFF2000, v0  }
0x16: {  	v1 =	vsel vm0, v1, v0;
	v0 =	vld [tilespmem:s14+$0x0]  }
0x17: {  	[tilespmem:s12+$0x200] =	vst v1;
	s12 =	smov.u32 s14  }
0x18: {  	_ =	sdelay $0x2  }
0x19: {  	vm0 =	vgt.s32 v0, $0xDFFF;
	v1 =	vadd.s32 $0xFFFF2000, v0  }
0x1a: {  	v0 =	vsel vm0, v1, v0  }
0x1b: {  	[tilespmem:s12+$0x200] =	vst v0  }
0x1c: {  	[tilespmem:s9], [sflag:$0x1] =	stream.indirect.gather [hbm4b:s3+s8], $0x80, s8, s8, $0xb8;
	[tilespmem:$0x10400] =	vst v63  }
0x1d: {  	s11 =	sadd.s32 $0x1, s11;
	_ =	swait.ge [sflag:s10], $0x10000  }
0x1e: {  	p0 =	sne.s32 s11, s6;
	[sflag:s10] =	ssyncset.done $0x0  }
.Ltmp1:
0x1f: {  	[sflag:s10] =	ssyncadd.s32 $0xFFFF0000;
	(pc) =	sbr.rel @p0 .LBB2_1-.Ltmp1, $4  }
0x20: {  	[hbm4b:s5+s2] =	stream.linear.scatter [tilespmem:s9], [sflag:$0x2], $0x10000, $0x38;
	[tilespmem:$0x10400] =	vst v63  }
0x21: {  	_ =	swait.ge [sflag:s7], $0x10000  }
0x22: {  	[sflag:s7] =	ssyncset.done $0x0  }
0x23: {  	[sflag:s7] =	ssyncadd.s32 $0xFFFF0000  }
0x24: {  	_ =	sfence.sel $0x180000  }
0x25: {  	[bflag:$0x0] =	sbarrier.arrive $0xFFFF  }
0x26: {  	p0 =	sne.s32 s1, $0x0;
	_ =	strace $0x90000047  }
0x27: {  	s0 =	sadd.s32 @!p0 $0x100000, s0;
	[bflag:$0x2] =	sbarrier.arrive $0xFFFF  }
0x28: {  	[sflag:s0] =	ssyncadd.tile.s32 @!p0 $0x1;
	_ =	shalt  }
.Lfunc_end2:
_tile_overlayer_lowered:
.L_overlay_start_2:
0x29: {  	(tag) =	ssettag $0x2  }
0x2a: {  	s0 =	rddreg [dreg:$0x0];
	s2 =	stileid.u32  }
0x2b: {  	s1 =	rddreg [dreg:$0x1];
	p0 =	sne.s32 s2, $0x0  }
0x2c: {  	s3 =	rddreg [dreg:$0x2];
	[bflag:$0x3] =	sbarrier.arrive $0xFFFF;
	s2 =	simm.s32 @!p0 $0x1C02  }
0x2d: {  	[timem:s3], [sflag:s2] =	dma.local @!p0 [hbm:s0], s1  }
0x2e: {  	s0 =	simm.s32 @!p0 $0x2  }
0x2f: {  	_ =	swait.ge @!p0 [sflag:s0], s1  }
0x30: {  	s1 =	ssub.s32 @!p0 $0x0, s1;
	[sflag:s0] =	ssyncset.done @!p0 $0x0  }
0x31: {  	[sflag:s0] =	ssyncadd.s32 @!p0 s1  }
0x32: {  	[bflag:$0x3] =	sbarrier.arrive $0xFFFF  }
0x33: {  	_ =	shalt  }

</sc_bundles>
